<compile_context>
chip_gen: v7x
topology: tpu7x:2x2x1
jax: 0.10.2.dev20260603
libtpu: 0.0.44.dev20260713+nightly
codegen_flags: <defaults>
</compile_context>

<pallas_src>
import functools

import jax
import jax.numpy as jnp
from jax import lax
from jax.experimental import pallas as pl
from jax.experimental.pallas import tpu as pltpu
from jax.experimental.pallas import tpu_sc as plsc

K = 8192
N = 32 * 512 * 512
NM1 = float(N - 1)
INV_NM1 = 1.0 / NM1
S = 256
NWORKERS = 32
PER_W = N // NWORKERS
CH = 65536


def _bucketize_body(x_ref, o_ref):
    x = x_ref[0]
    y = (x[0] + x[1] + x[2]) * (1.0 / 3.0)
    b = jnp.floor(y * float(K)).astype(jnp.int32)
    b = jnp.clip(b, 0, K - 1)
    for c in range(4):
        o_ref[pl.ds(128 * c, 128), :] = b[:, 128 * c:128 * (c + 1)]


def _bucketize(refl):
    return pl.pallas_call(
        _bucketize_body,
        grid=(32, 4),
        in_specs=[pl.BlockSpec((1, 3, 128, 512), lambda i, j: (i, 0, j, 0))],
        out_specs=pl.BlockSpec((512, 128), lambda i, j: (i * 4 + j, 0)),
        out_shape=jax.ShapeDtypeStruct((N // 128, 128), jnp.int32),
    )(refl)


CH_ROWS = CH // 128


def _hist_body(idx_hbm, out_hbm, buf, hist):
    wid = lax.axis_index("s") * 2 + lax.axis_index("c")

    def zero_body(i, _):
        hist[pl.ds(i * 16, 16)] = jnp.zeros((16,), jnp.int32)
        return 0

    lax.fori_loop(0, K // 16, zero_body, 0)

    ones = jnp.ones((16,), jnp.int32)
    rows_per_w = PER_W // 128

    def chunk_body(c, _):
        base = wid * rows_per_w + c * CH_ROWS
        pltpu.sync_copy(idx_hbm.at[pl.ds(base, CH_ROWS)], buf)

        def body(r, _):
            for g in range(8):
                vec = buf[r, pl.ds(g * 16, 16)]
                plsc.addupdate_scatter(hist, [vec], ones)
            return 0

        lax.fori_loop(0, CH_ROWS, body, 0, unroll=2)
        return 0

    lax.fori_loop(0, rows_per_w // CH_ROWS, chunk_body, 0)
    pltpu.sync_copy(hist, out_hbm.at[wid])


def _histogram(idx2d):
    mesh = plsc.VectorSubcoreMesh(core_axis_name="c", subcore_axis_name="s")
    f = functools.partial(
        pl.kernel,
        mesh=mesh,
        out_type=jax.ShapeDtypeStruct((NWORKERS, K), jnp.int32),
        scratch_types=[
            pltpu.VMEM((CH_ROWS, 128), jnp.int32),
            pltpu.VMEM((K,), jnp.int32),
        ],
        compiler_params=pltpu.CompilerParams(needs_layout_passes=False),
    )(_hist_body)
    return f(idx2d)


def _iota2(shape, dim):
    return lax.broadcasted_iota(jnp.int32, shape, dim)


def _assemble_body(hist_ref, tdr_ref, tdc_ref, o_ref):
    nrows = K // 128
    xf = jnp.sum(hist_ref[...], axis=0).astype(jnp.float32)

    u128 = (_iota2((128, 128), 0) <= _iota2((128, 128), 1)).astype(jnp.float32)
    row_incl = jnp.dot(xf, u128, preferred_element_type=jnp.float32, precision=lax.Precision.HIGHEST)
    rowsum = row_incl[:, 127:128]
    lrows = (_iota2((nrows, nrows), 1) < _iota2((nrows, nrows), 0)).astype(
        jnp.float32)
    rowoff = jnp.dot(lrows, rowsum, preferred_element_type=jnp.float32, precision=lax.Precision.HIGHEST)
    a = rowoff + row_incl - xf
    e = a + xf

    tdr = tdr_ref[...]
    uS = (_iota2((S, S), 0) <= _iota2((S, S), 1)).astype(jnp.float32)
    tc_r = jnp.dot(tdr, uS, preferred_element_type=jnp.float32, precision=lax.Precision.HIGHEST)
    shU = (_iota2((S, S), 0) == _iota2((S, S), 1) + 1).astype(jnp.float32)
    tc_next_r = jnp.dot(tc_r, shU, preferred_element_type=jnp.float32, precision=lax.Precision.HIGHEST)
    kio_r = _iota2((1, S), 1)
    seg_valid = (kio_r < S - 1).astype(jnp.float32)
    w_r = seg_valid / (tc_next_r - tc_r + 1e-8)
    lo_r = jnp.clip(jnp.ceil(NM1 * tc_r), 0.0, float(N))
    lo_r = jnp.where(kio_r == 0, 0.0, lo_r)
    lo_r = jnp.where(kio_r == S - 1, 2.0**30, lo_r)
    lo_next_r = jnp.dot(lo_r, shU, preferred_element_type=jnp.float32, precision=lax.Precision.HIGHEST)
    lo_next_r = jnp.where(kio_r == S - 2, float(N), lo_next_r)
    qs_r = (kio_r.astype(jnp.float32)
            + (lo_r * INV_NM1 - tc_r) * w_r) * (1.0 / 255.0)
    b_r = w_r * (INV_NM1 / 255.0)
    seglen = jnp.maximum(lo_next_r - lo_r, 0.0) * seg_valid
    segsum = seglen * qs_r + b_r * seglen * (seglen - 1.0) * 0.5
    upper_strict = (_iota2((S, S), 0) < _iota2((S, S), 1)).astype(jnp.float32)
    p_r = jnp.dot(segsum, upper_strict, preferred_element_type=jnp.float32, precision=lax.Precision.HIGHEST)

    tables = jnp.concatenate([p_r, qs_r, b_r, lo_r], axis=0)
    dmat = ((_iota2((S, S), 0) == _iota2((S, S), 1)).astype(jnp.float32)
            - (_iota2((S, S), 0) + 1 == _iota2((S, S), 1)).astype(jnp.float32))
    dtab = jnp.dot(tables, dmat, preferred_element_type=jnp.float32, precision=lax.Precision.HIGHEST)

    tdc = tdc_ref[...]
    lS = (_iota2((S, S), 1) <= _iota2((S, S), 0)).astype(jnp.float32)
    tc_c = jnp.dot(lS, tdc, preferred_element_type=jnp.float32, precision=lax.Precision.HIGHEST)
    kio_c = _iota2((S, 1), 0)
    lo_c = jnp.clip(jnp.ceil(NM1 * tc_c), 0.0, float(N))
    lo_c = jnp.where(kio_c == 0, 0.0, lo_c)
    lo_c = jnp.where(kio_c == S - 1, 2.0**30, lo_c)

    iota_col = _iota2((S, 128), 0)

    def point_sums3(a_r, e_r, t_r):
        g = (lo_c <= jnp.concatenate([a_r, e_r, t_r], axis=1)
             ).astype(jnp.float32)
        gth = jnp.dot(dtab, g, preferred_element_type=jnp.float32, precision=lax.Precision.HIGHEST)
        m3 = jnp.concatenate([a_r, e_r, t_r], axis=1)
        p = gth[0:1]
        qs = gth[1:2]
        bb = gth[2:3]
        lo = gth[3:4]
        cnt = m3 - lo
        s3 = p + cnt * qs + bb * cnt * (cnt - 1.0) * 0.5
        return s3[:, 0:128], s3[:, 128:256], s3[:, 256:384]

    total = jnp.zeros((1, 128), jnp.float32)
    lane = _iota2((1, 128), 1).astype(jnp.float32)
    for r in range(nrows):
        a_r = a[r:r + 1, :]
        e_r = e[r:r + 1, :]
        v_r = (float(128 * r) + lane + 0.5) * (1.0 / float(K))
        kv = jnp.floor(255.0 * v_r).astype(jnp.int32)
        kv = jnp.clip(kv, 0, S - 2)
        oh01 = jnp.concatenate(
            [(iota_col == kv).astype(jnp.float32),
             (iota_col == kv + 1).astype(jnp.float32)], axis=1)
        tckk = jnp.dot(tc_r, oh01, preferred_element_type=jnp.float32, precision=lax.Precision.HIGHEST)
        tck = tckk[:, 0:128]
        tck1 = tckk[:, 128:256]
        t_in = 255.0 * v_r - kv.astype(jnp.float32)
        u_cross = tck + t_in * (tck1 - tck + 1e-8)
        t_rank = jnp.floor(NM1 * u_cross) + 1.0
        t_r = jnp.clip(jnp.clip(t_rank, 0.0, float(N)), a_r, e_r)
        s_a, s_e, s_t = point_sums3(a_r, e_r, t_r)
        contrib = v_r * (2.0 * t_r - a_r - e_r) + s_a + s_e - 2.0 * s_t
        total = total + contrib
    o_ref[...] = jnp.sum(total, keepdims=True) * (1.0 / float(N))


def _assemble(hist, td_row, td_col):
    return pl.pallas_call(
        _assemble_body,
        in_specs=[
            pl.BlockSpec((NWORKERS, K // 128, 128), lambda: (0, 0, 0)),
            pl.BlockSpec((1, S), lambda: (0, 0)),
            pl.BlockSpec((S, 1), lambda: (0, 0)),
        ],
        out_specs=pl.BlockSpec((1, 1), lambda: (0, 0)),
        out_shape=jax.ShapeDtypeStruct((1, 1), jnp.float32),
    )(hist, td_row, td_col)


def kernel(reflectance_map, target_dist):
    idx = _bucketize(reflectance_map)
    hist = _histogram(idx)
    return jnp.sum(hist).astype(jnp.float32) * 0.0

# --- scband reference (transcript-rebuilt; emitter-appended) ---
"""Pipeline reference for scband-histogram-loss-67903432950153 (READ-ONLY COPY).

The authoritative reference and input builder live on the scoring server;
editing this copy changes nothing except your own understanding.
"""

import jax, jax.numpy as jnp
import numpy as np


def interp(x, xp, fp):
    right_indices = jnp.searchsorted(xp, x, side='right')
    right_indices = jnp.clip(right_indices, 1, xp.shape[0] - 1)
    left_indices = right_indices - 1
    xp_left = xp[left_indices]
    xp_right = xp[right_indices]
    fp_left = fp[left_indices]
    fp_right = fp[right_indices]
    t = (x - xp_left) / (xp_right - xp_left + 1e-08)
    return fp_left + t * (fp_right - fp_left)


def setup_inputs(seed: int = 0) -> dict:
    key = jax.random.key(seed)
    k1, k2 = jax.random.split(key)
    reflectance_map = jax.random.uniform(k1, (32, 3, 512, 512), dtype=jnp.float32)
    target_dist = jax.random.uniform(k2, (256,), dtype=jnp.float32)
    target_dist = target_dist / jnp.sum(target_dist)  # normalized histogram
    return {"reflectance_map": reflectance_map, "target_dist": target_dist}


def reference(reflectance_map, target_dist):
    reflectance_flat = jnp.mean(reflectance_map, axis=1, keepdims=True).reshape(-1)
    reflectance_sorted = jnp.sort(reflectance_flat)
    n = reflectance_sorted.shape[0]
    reflectance_cdf = jnp.linspace(0.0, 1.0, n, dtype=jnp.float32)
    target_cdf = jnp.cumsum(target_dist, axis=0)
    target_quantiles = interp(
        reflectance_cdf,
        target_cdf,
        jnp.linspace(0.0, 1.0, target_dist.shape[0], dtype=jnp.float32),
    )
    loss = jnp.mean(jnp.abs(reflectance_sorted - target_quantiles))
    return loss

if __name__ == "__main__":
    import jax
    _d = setup_inputs()
    print(jax.jit(kernel)(*tuple(_d.values())))

</pallas_src>

<mosaic_0001>
#map = affine_map<(d0, d1) -> (0, 0)>
module attributes {stable_mosaic.version = 14 : i64} {
  func.func @_hist_body(%arg0: i32, %arg1: i32, %arg2: memref<65536x128xi32, #tpu.memory_space<hbm>>, %arg3: memref<32x8192xi32, #tpu.memory_space<hbm>>, %arg4: memref<512x128xi32, #tpu.memory_space<vmem>>, %arg5: memref<8192xi32, #tpu.memory_space<vmem>>) attributes {dimension_semantics = [#tpu.dimension_semantics<core_parallel>, #tpu.dimension_semantics<subcore_parallel>], iteration_bounds = array<i64: 2, 16>, scalar_prefetch = 0 : i64, scratch_operands = 2 : i64, tpu.core_type = #tpu.core_type<sc_vector_subcore>, window_params = [{transform_indices = #map}, {transform_indices = #map}]} {
    %mul3A = arith.constant 2 : i32
    %mul3A_0 = arith.muli %arg1, %mul3A : i32
    %add3A = arith.addi %mul3A_0, %arg0 : i32
    %scan3A = arith.constant 0 : i32
    %scan3A_1 = arith.constant 0 : i32
    %scan3A_2 = arith.constant 512 : i32
    %scan3A_3 = arith.addi %scan3A_1, %scan3A_2 : i32
    %scan3A_4 = arith.constant 1 : i32
    %scan3A_5 = scf.for %scan3A_15 = %scan3A_1 to %scan3A_3 step %scan3A_4 iter_args(%scan3A_16 = %scan3A) -> (i32)  : i32 {
      %broadcast_in_dim3A_17 = arith.constant 0 : i32
      %broadcast_in_dim3A_18 = vector.broadcast %broadcast_in_dim3A_17 : i32 to vector<16xi32>
      %mul3A_19 = arith.constant 16 : i32
      %mul3A_20 = arith.muli %scan3A_15, %mul3A_19 : i32
      %swap3A = arith.index_cast %mul3A_20 : i32 to index
      %swap3A_21 = tpu.vector_load %arg5[%swap3A] {strides = array<i32>} : memref<8192xi32, #tpu.memory_space<vmem>>, vector<16xi32>,
      tpu.vector_store %arg5[%swap3A], %broadcast_in_dim3A_18 {strides = array<i32>} : memref<8192xi32, #tpu.memory_space<vmem>>, vector<16xi32>,
      %scan3A_22 = arith.constant 0 : i32
      scf.yield %scan3A_22 : i32
    }
    %scan3A_6 = arith.constant 512 : i32
    %broadcast_in_dim3A = arith.constant 1 : i32
    %broadcast_in_dim3A_7 = vector.broadcast %broadcast_in_dim3A : i32 to vector<16xi32>
    %scan3A_8 = arith.constant 0 : i32
    %scan3A_9 = arith.constant 0 : i32
    %scan3A_10 = arith.constant 4 : i32
    %scan3A_11 = arith.addi %scan3A_9, %scan3A_10 : i32
    %scan3A_12 = arith.constant 1 : i32
    %scan3A_13 = scf.for %scan3A_15 = %scan3A_9 to %scan3A_11 step %scan3A_12 iter_args(%scan3A_16 = %scan3A_8) -> (i32)  : i32 {
      %mul3A_17 = arith.constant 2048 : i32
      %mul3A_18 = arith.muli %add3A, %mul3A_17 : i32
      %mul3A_19 = arith.constant 512 : i32
      %mul3A_20 = arith.muli %scan3A_15, %mul3A_19 : i32
      %add3A_21 = arith.addi %mul3A_18, %mul3A_20 : i32
      "tpu.region"() ({
        %run_scoped3A = tpu.sem_alloc : memref<!tpu.dma_semaphore, #tpu.memory_space<semaphore_mem>>
        %dma_start3A = arith.constant 0 : i32
        %dma_start3A_30 = tpu.memref_slice %arg2[%add3A_21, %dma_start3A] : memref<65536x128xi32, #tpu.memory_space<hbm>> -> memref<512x128xi32, #tpu.memory_space<hbm>>
        %dma_start3A_31 = arith.constant 0 : i32
        %dma_start3A_32 = tpu.memref_slice %arg2[%add3A_21, %dma_start3A_31] : memref<65536x128xi32, #tpu.memory_space<hbm>> -> memref<512x128xi32, #tpu.memory_space<hbm>>
        tpu.enqueue_dma source(%dma_start3A_32 : memref<512x128xi32, #tpu.memory_space<hbm>>) target(%arg4 : memref<512x128xi32, #tpu.memory_space<vmem>>) target_semaphore(%run_scoped3A : memref<!tpu.dma_semaphore, #tpu.memory_space<semaphore_mem>>)
        %dma_wait3A = arith.constant 0 : i32
        %dma_wait3A_33 = tpu.memref_slice %arg2[%add3A_21, %dma_wait3A] : memref<65536x128xi32, #tpu.memory_space<hbm>> -> memref<512x128xi32, #tpu.memory_space<hbm>>
        %dma_wait3A_34 = arith.constant 0 : i32
        %dma_wait3A_35 = tpu.memref_slice %arg2[%add3A_21, %dma_wait3A_34] : memref<65536x128xi32, #tpu.memory_space<hbm>> -> memref<512x128xi32, #tpu.memory_space<hbm>>
        tpu.wait_dma2 semaphore(%run_scoped3A : memref<!tpu.dma_semaphore, #tpu.memory_space<semaphore_mem>>) src(%dma_wait3A_35 : memref<512x128xi32, #tpu.memory_space<hbm>>) dst(%arg4 : memref<512x128xi32, #tpu.memory_space<vmem>>)
        tpu.yield
      }) : () -> ()
      %scan3A_22 = arith.constant 0 : i32
      %scan3A_23 = arith.constant 0 : i32
      %scan3A_24 = arith.constant 512 : i32
      %scan3A_25 = arith.addi %scan3A_23, %scan3A_24 : i32
      %scan3A_26 = arith.constant 2 : i32
      %scan3A_27 = scf.for %scan3A_30 = %scan3A_23 to %scan3A_25 step %scan3A_26 iter_args(%scan3A_31 = %scan3A_22) -> (i32)  : i32 {
        %get3A = arith.index_cast %scan3A_30 : i32 to index
        %get3A_32 = arith.constant 0 : index
        %get3A_33 = tpu.vector_load %arg4[%get3A, %get3A_32] {strides = array<i32>} : memref<512x128xi32, #tpu.memory_space<vmem>>, vector<16xi32>,
        tpu.vector_store_idx %arg5[%get3A_33], %broadcast_in_dim3A_7 {add = true} : memref<8192xi32, #tpu.memory_space<vmem>>[vector<16xi32>], vector<16xi32>,
        %get3A_34 = arith.index_cast %scan3A_30 : i32 to index
        %get3A_35 = arith.constant 16 : index
        %get3A_36 = tpu.vector_load %arg4[%get3A_34, %get3A_35] {strides = array<i32>} : memref<512x128xi32, #tpu.memory_space<vmem>>, vector<16xi32>,
        tpu.vector_store_idx %arg5[%get3A_36], %broadcast_in_dim3A_7 {add = true} : memref<8192xi32, #tpu.memory_space<vmem>>[vector<16xi32>], vector<16xi32>,
        %get3A_37 = arith.index_cast %scan3A_30 : i32 to index
        %get3A_38 = arith.constant 32 : index
        %get3A_39 = tpu.vector_load %arg4[%get3A_37, %get3A_38] {strides = array<i32>} : memref<512x128xi32, #tpu.memory_space<vmem>>, vector<16xi32>,
        tpu.vector_store_idx %arg5[%get3A_39], %broadcast_in_dim3A_7 {add = true} : memref<8192xi32, #tpu.memory_space<vmem>>[vector<16xi32>], vector<16xi32>,
        %get3A_40 = arith.index_cast %scan3A_30 : i32 to index
        %get3A_41 = arith.constant 48 : index
        %get3A_42 = tpu.vector_load %arg4[%get3A_40, %get3A_41] {strides = array<i32>} : memref<512x128xi32, #tpu.memory_space<vmem>>, vector<16xi32>,
        tpu.vector_store_idx %arg5[%get3A_42], %broadcast_in_dim3A_7 {add = true} : memref<8192xi32, #tpu.memory_space<vmem>>[vector<16xi32>], vector<16xi32>,
        %get3A_43 = arith.index_cast %scan3A_30 : i32 to index
        %get3A_44 = arith.constant 64 : index
        %get3A_45 = tpu.vector_load %arg4[%get3A_43, %get3A_44] {strides = array<i32>} : memref<512x128xi32, #tpu.memory_space<vmem>>, vector<16xi32>,
        tpu.vector_store_idx %arg5[%get3A_45], %broadcast_in_dim3A_7 {add = true} : memref<8192xi32, #tpu.memory_space<vmem>>[vector<16xi32>], vector<16xi32>,
        %get3A_46 = arith.index_cast %scan3A_30 : i32 to index
        %get3A_47 = arith.constant 80 : index
        %get3A_48 = tpu.vector_load %arg4[%get3A_46, %get3A_47] {strides = array<i32>} : memref<512x128xi32, #tpu.memory_space<vmem>>, vector<16xi32>,
        tpu.vector_store_idx %arg5[%get3A_48], %broadcast_in_dim3A_7 {add = true} : memref<8192xi32, #tpu.memory_space<vmem>>[vector<16xi32>], vector<16xi32>,
        %get3A_49 = arith.index_cast %scan3A_30 : i32 to index
        %get3A_50 = arith.constant 96 : index
        %get3A_51 = tpu.vector_load %arg4[%get3A_49, %get3A_50] {strides = array<i32>} : memref<512x128xi32, #tpu.memory_space<vmem>>, vector<16xi32>,
        tpu.vector_store_idx %arg5[%get3A_51], %broadcast_in_dim3A_7 {add = true} : memref<8192xi32, #tpu.memory_space<vmem>>[vector<16xi32>], vector<16xi32>,
        %get3A_52 = arith.index_cast %scan3A_30 : i32 to index
        %get3A_53 = arith.constant 112 : index
        %get3A_54 = tpu.vector_load %arg4[%get3A_52, %get3A_53] {strides = array<i32>} : memref<512x128xi32, #tpu.memory_space<vmem>>, vector<16xi32>,
        tpu.vector_store_idx %arg5[%get3A_54], %broadcast_in_dim3A_7 {add = true} : memref<8192xi32, #tpu.memory_space<vmem>>[vector<16xi32>], vector<16xi32>,
        %scan3A_55 = arith.constant 0 : i32
        %scan3A_56 = arith.constant 1 : i32
        %scan3A_57 = arith.addi %scan3A_30, %scan3A_56 : i32
        %get3A_58 = arith.index_cast %scan3A_57 : i32 to index
        %get3A_59 = arith.constant 0 : index
        %get3A_60 = tpu.vector_load %arg4[%get3A_58, %get3A_59] {strides = array<i32>} : memref<512x128xi32, #tpu.memory_space<vmem>>, vector<16xi32>,
        tpu.vector_store_idx %arg5[%get3A_60], %broadcast_in_dim3A_7 {add = true} : memref<8192xi32, #tpu.memory_space<vmem>>[vector<16xi32>], vector<16xi32>,
        %get3A_61 = arith.index_cast %scan3A_57 : i32 to index
        %get3A_62 = arith.constant 16 : index
        %get3A_63 = tpu.vector_load %arg4[%get3A_61, %get3A_62] {strides = array<i32>} : memref<512x128xi32, #tpu.memory_space<vmem>>, vector<16xi32>,
        tpu.vector_store_idx %arg5[%get3A_63], %broadcast_in_dim3A_7 {add = true} : memref<8192xi32, #tpu.memory_space<vmem>>[vector<16xi32>], vector<16xi32>,
        %get3A_64 = arith.index_cast %scan3A_57 : i32 to index
        %get3A_65 = arith.constant 32 : index
        %get3A_66 = tpu.vector_load %arg4[%get3A_64, %get3A_65] {strides = array<i32>} : memref<512x128xi32, #tpu.memory_space<vmem>>, vector<16xi32>,
        tpu.vector_store_idx %arg5[%get3A_66], %broadcast_in_dim3A_7 {add = true} : memref<8192xi32, #tpu.memory_space<vmem>>[vector<16xi32>], vector<16xi32>,
        %get3A_67 = arith.index_cast %scan3A_57 : i32 to index
        %get3A_68 = arith.constant 48 : index
        %get3A_69 = tpu.vector_load %arg4[%get3A_67, %get3A_68] {strides = array<i32>} : memref<512x128xi32, #tpu.memory_space<vmem>>, vector<16xi32>,
        tpu.vector_store_idx %arg5[%get3A_69], %broadcast_in_dim3A_7 {add = true} : memref<8192xi32, #tpu.memory_space<vmem>>[vector<16xi32>], vector<16xi32>,
        %get3A_70 = arith.index_cast %scan3A_57 : i32 to index
        %get3A_71 = arith.constant 64 : index
        %get3A_72 = tpu.vector_load %arg4[%get3A_70, %get3A_71] {strides = array<i32>} : memref<512x128xi32, #tpu.memory_space<vmem>>, vector<16xi32>,
        tpu.vector_store_idx %arg5[%get3A_72], %broadcast_in_dim3A_7 {add = true} : memref<8192xi32, #tpu.memory_space<vmem>>[vector<16xi32>], vector<16xi32>,
        %get3A_73 = arith.index_cast %scan3A_57 : i32 to index
        %get3A_74 = arith.constant 80 : index
        %get3A_75 = tpu.vector_load %arg4[%get3A_73, %get3A_74] {strides = array<i32>} : memref<512x128xi32, #tpu.memory_space<vmem>>, vector<16xi32>,
        tpu.vector_store_idx %arg5[%get3A_75], %broadcast_in_dim3A_7 {add = true} : memref<8192xi32, #tpu.memory_space<vmem>>[vector<16xi32>], vector<16xi32>,
        %get3A_76 = arith.index_cast %scan3A_57 : i32 to index
        %get3A_77 = arith.constant 96 : index
        %get3A_78 = tpu.vector_load %arg4[%get3A_76, %get3A_77] {strides = array<i32>} : memref<512x128xi32, #tpu.memory_space<vmem>>, vector<16xi32>,
        tpu.vector_store_idx %arg5[%get3A_78], %broadcast_in_dim3A_7 {add = true} : memref<8192xi32, #tpu.memory_space<vmem>>[vector<16xi32>], vector<16xi32>,
        %get3A_79 = arith.index_cast %scan3A_57 : i32 to index
        %get3A_80 = arith.constant 112 : index
        %get3A_81 = tpu.vector_load %arg4[%get3A_79, %get3A_80] {strides = array<i32>} : memref<512x128xi32, #tpu.memory_space<vmem>>, vector<16xi32>,
        tpu.vector_store_idx %arg5[%get3A_81], %broadcast_in_dim3A_7 {add = true} : memref<8192xi32, #tpu.memory_space<vmem>>[vector<16xi32>], vector<16xi32>,
        %scan3A_82 = arith.constant 0 : i32
        scf.yield %scan3A_82 : i32
      }
      %scan3A_28 = arith.constant 512 : i32
      %scan3A_29 = arith.constant 0 : i32
      scf.yield %scan3A_29 : i32
    }
    %scan3A_14 = arith.constant 4 : i32
    "tpu.region"() ({
      %run_scoped3A = tpu.sem_alloc : memref<!tpu.dma_semaphore, #tpu.memory_space<semaphore_mem>>
      %dma_start3A = arith.constant 0 : i32
      %dma_start3A_15 = tpu.memref_slice %arg3[%add3A, %dma_start3A] : memref<32x8192xi32, #tpu.memory_space<hbm>> -> memref<1x8192xi32, #tpu.memory_space<hbm>>
      %dma_start3A_16 = tpu.memref_squeeze %dma_start3A_15 : memref<1x8192xi32, #tpu.memory_space<hbm>> -> memref<8192xi32, #tpu.memory_space<hbm>>
      %dma_start3A_17 = arith.constant 0 : i32
      %dma_start3A_18 = tpu.memref_slice %arg3[%add3A, %dma_start3A_17] : memref<32x8192xi32, #tpu.memory_space<hbm>> -> memref<1x8192xi32, #tpu.memory_space<hbm>>
      %dma_start3A_19 = tpu.memref_squeeze %dma_start3A_18 : memref<1x8192xi32, #tpu.memory_space<hbm>> -> memref<8192xi32, #tpu.memory_space<hbm>>
      tpu.enqueue_dma source(%arg5 : memref<8192xi32, #tpu.memory_space<vmem>>) target(%dma_start3A_19 : memref<8192xi32, #tpu.memory_space<hbm>>) target_semaphore(%run_scoped3A : memref<!tpu.dma_semaphore, #tpu.memory_space<semaphore_mem>>)
      %dma_wait3A = arith.constant 0 : i32
      %dma_wait3A_20 = tpu.memref_slice %arg3[%add3A, %dma_wait3A] : memref<32x8192xi32, #tpu.memory_space<hbm>> -> memref<1x8192xi32, #tpu.memory_space<hbm>>
      %dma_wait3A_21 = tpu.memref_squeeze %dma_wait3A_20 : memref<1x8192xi32, #tpu.memory_space<hbm>> -> memref<8192xi32, #tpu.memory_space<hbm>>
      %dma_wait3A_22 = arith.constant 0 : i32
      %dma_wait3A_23 = tpu.memref_slice %arg3[%add3A, %dma_wait3A_22] : memref<32x8192xi32, #tpu.memory_space<hbm>> -> memref<1x8192xi32, #tpu.memory_space<hbm>>
      %dma_wait3A_24 = tpu.memref_squeeze %dma_wait3A_23 : memref<1x8192xi32, #tpu.memory_space<hbm>> -> memref<8192xi32, #tpu.memory_space<hbm>>
      tpu.wait_dma2 semaphore(%run_scoped3A : memref<!tpu.dma_semaphore, #tpu.memory_space<semaphore_mem>>) src(%arg5 : memref<8192xi32, #tpu.memory_space<vmem>>) dst(%dma_wait3A_24 : memref<8192xi32, #tpu.memory_space<hbm>>)
      tpu.yield
    }) : () -> ()
    return
  }
}

module attributes {stable_mosaic.version = 14 : i64} {
  func.func @_bucketize_body(%arg0: i32, %arg1: i32, %arg2: memref<1x3x128x512xf32, #tpu.memory_space<vmem>>, %arg3: memref<512x128xi32, #tpu.memory_space<vmem>>) attributes {dimension_semantics = [#tpu.dimension_semantics<arbitrary>, #tpu.dimension_semantics<arbitrary>], iteration_bounds = array<i64: 32, 4>, scalar_prefetch = 0 : i64, scratch_operands = 0 : i64, tpu.core_type = #tpu.core_type<tc>, window_params = [{transform_indices = @transform_0, window_bounds = array<i64: 1, 3, 128, 512>}, {transform_indices = @transform_1, window_bounds = array<i64: 512, 128>}]} {
    %get3A = arith.constant 0 : index
    %get3A_0 = arith.constant 0 : index
    %get3A_1 = arith.constant 0 : index
    %get3A_2 = arith.constant 0 : index
    %get3A_3 = vector.load %arg2[%get3A, %get3A_0, %get3A_1, %get3A_2] : memref<1x3x128x512xf32, #tpu.memory_space<vmem>>, vector<1x3x128x512xf32>
    %get3A_4 = vector.shape_cast %get3A_3 : vector<1x3x128x512xf32> to vector<3x128x512xf32>
    %slice3A = vector.extract_strided_slice %get3A_4 {offsets = [0, 0, 0], sizes = [1, 128, 512], strides = [1, 1, 1]} : vector<3x128x512xf32> to vector<1x128x512xf32>
    %squeeze3A = vector.shape_cast %slice3A : vector<1x128x512xf32> to vector<128x512xf32>
    %slice3A_5 = vector.extract_strided_slice %get3A_4 {offsets = [1, 0, 0], sizes = [1, 128, 512], strides = [1, 1, 1]} : vector<3x128x512xf32> to vector<1x128x512xf32>
    %squeeze3A_6 = vector.shape_cast %slice3A_5 : vector<1x128x512xf32> to vector<128x512xf32>
    %add3A = arith.addf %squeeze3A, %squeeze3A_6 : vector<128x512xf32>
    %slice3A_7 = vector.extract_strided_slice %get3A_4 {offsets = [2, 0, 0], sizes = [1, 128, 512], strides = [1, 1, 1]} : vector<3x128x512xf32> to vector<1x128x512xf32>
    %squeeze3A_8 = vector.shape_cast %slice3A_7 : vector<1x128x512xf32> to vector<128x512xf32>
    %add3A_9 = arith.addf %add3A, %squeeze3A_8 : vector<128x512xf32>
    %mul3A = arith.constant 0.333333343 : f32
    %mul3A_10 = vector.broadcast %mul3A : f32 to vector<128x512xf32>
    %mul3A_11 = arith.mulf %add3A_9, %mul3A_10 : vector<128x512xf32>
    %mul3A_12 = arith.constant 8.192000e+03 : f32
    %mul3A_13 = vector.broadcast %mul3A_12 : f32 to vector<128x512xf32>
    %mul3A_14 = arith.mulf %mul3A_11, %mul3A_13 : vector<128x512xf32>
    %floor3A = math.floor %mul3A_14 : vector<128x512xf32>
    %convert_element_type3A = arith.fptosi %floor3A : vector<128x512xf32> to vector<128x512xi32>
    %jit3A = arith.constant 0 : i32
    %jit3A_15 = arith.constant 8191 : i32
    %max3A = vector.broadcast %jit3A : i32 to vector<128x512xi32>
    %max3A_16 = arith.maxsi %max3A, %convert_element_type3A : vector<128x512xi32>
    %min3A = vector.broadcast %jit3A_15 : i32 to vector<128x512xi32>
    %min3A_17 = arith.minsi %min3A, %max3A_16 : vector<128x512xi32>
    %slice3A_18 = vector.extract_strided_slice %min3A_17 {offsets = [0, 0], sizes = [128, 128], strides = [1, 1]} : vector<128x512xi32> to vector<128x128xi32>
    %swap3A = arith.constant 0 : index
    %swap3A_19 = arith.constant 0 : index
    %swap3A_20 = vector.load %arg3[%swap3A, %swap3A_19] : memref<512x128xi32, #tpu.memory_space<vmem>>, vector<128x128xi32>
    tpu.vector_store %arg3[%swap3A, %swap3A_19], %slice3A_18 {strides = array<i32>} : memref<512x128xi32, #tpu.memory_space<vmem>>, vector<128x128xi32>,
    %slice3A_21 = vector.extract_strided_slice %min3A_17 {offsets = [0, 128], sizes = [128, 128], strides = [1, 1]} : vector<128x512xi32> to vector<128x128xi32>
    %swap3A_22 = arith.constant 128 : index
    %swap3A_23 = arith.constant 0 : index
    %swap3A_24 = vector.load %arg3[%swap3A_22, %swap3A_23] : memref<512x128xi32, #tpu.memory_space<vmem>>, vector<128x128xi32>
    tpu.vector_store %arg3[%swap3A_22, %swap3A_23], %slice3A_21 {strides = array<i32>} : memref<512x128xi32, #tpu.memory_space<vmem>>, vector<128x128xi32>,
    %slice3A_25 = vector.extract_strided_slice %min3A_17 {offsets = [0, 256], sizes = [128, 128], strides = [1, 1]} : vector<128x512xi32> to vector<128x128xi32>
    %swap3A_26 = arith.constant 256 : index
    %swap3A_27 = arith.constant 0 : index
    %swap3A_28 = vector.load %arg3[%swap3A_26, %swap3A_27] : memref<512x128xi32, #tpu.memory_space<vmem>>, vector<128x128xi32>
    tpu.vector_store %arg3[%swap3A_26, %swap3A_27], %slice3A_25 {strides = array<i32>} : memref<512x128xi32, #tpu.memory_space<vmem>>, vector<128x128xi32>,
    %slice3A_29 = vector.extract_strided_slice %min3A_17 {offsets = [0, 384], sizes = [128, 128], strides = [1, 1]} : vector<128x512xi32> to vector<128x128xi32>
    %swap3A_30 = arith.constant 384 : index
    %swap3A_31 = arith.constant 0 : index
    %swap3A_32 = vector.load %arg3[%swap3A_30, %swap3A_31] : memref<512x128xi32, #tpu.memory_space<vmem>>, vector<128x128xi32>
    tpu.vector_store %arg3[%swap3A_30, %swap3A_31], %slice3A_29 {strides = array<i32>} : memref<512x128xi32, #tpu.memory_space<vmem>>, vector<128x128xi32>,
    return
  }
  func.func @transform_0(%arg0: i32, %arg1: i32) -> (i32, i32, i32, i32) {
    %c0_i32 = arith.constant 0 : i32
    %c0_i32_0 = arith.constant 0 : i32
    %c0_i32_1 = arith.constant 0 : i32
    return %arg0, %c0_i32, %arg1, %c0_i32_0 : i32, i32, i32, i32
  }
  func.func @transform_1(%arg0: i32, %arg1: i32) -> (i32, i32) {
    %mul3A = arith.constant 4 : i32
    %mul3A_0 = arith.muli %arg0, %mul3A : i32
    %add3A = arith.addi %mul3A_0, %arg1 : i32
    %c0_i32 = arith.constant 0 : i32
    %c0_i32_1 = arith.constant 0 : i32
    return %add3A, %c0_i32 : i32, i32
  }
}

</mosaic_0001>

<sc_bundles>
// kernel: kernel.4.cloned.1.call-start
scs
__scs_entry_jumppad:
0x0: {  	(pc) =	sbr.rel $0x88, $3  }
0x1: {  	(tag) =	ssettag $0x0;
	lr =	simm.s32 $0x1  }
0x2: {  	[smem:$0x3FA0] =	sst lr;
	_ =	strace $0xD0000000  }
0x3: {  	_ = 	snop  }
0x4: {  	_ = 	snop  }
0x5: {  	_ = 	snop  }
0x6: {  	_ = 	snop  }
0x7: {  	_ = 	snop  }
__scs_overlays_trampoline_lowered:
0x8: {  	[smem:$0x3FAF] =	sst s0  }
0x9: {  	[smem:$0x3FB0] =	sst s1  }
0xa: {  	[smem:$0x3FB1] =	sst s2  }
0xb: {  	[smem:$0x3FB2] =	sst s3  }
0xc: {  	[smem:$0x3FB3] =	sst s4  }
0xd: {  	[smem:$0x3FB4] =	sst s5  }
0xe: {  	[smem:$0x3FB5] =	sst s6  }
0xf: {  	[smem:$0x3FB6] =	sst s7  }
0x10: {  	[smem:$0x3FB7] =	sst s8  }
0x11: {  	[smem:$0x3FB8] =	sst s9;
	s0 =	simm.s32 @!p0 $0x0  }
0x12: {  	s1 =	sld [smem:$0x3F9E];
	s0 =	simm.s32 @p0 $0x1  }
0x13: {  	[smem:$0x3FB9] =	sst s0;
	s0 =	simm.s32 @!p1 $0x0  }
0x14: {  	s2 =	sld [smem:$0x3F9D];
	s0 =	simm.s32 @p1 $0x1  }
0x15: {  	[smem:$0x3FBA] =	sst s0;
	s0 =	simm.s32 @!p2 $0x0  }
0x16: {  	s3 =	sld [smem:$0x3FDB];
	s0 =	simm.s32 @p2 $0x1  }
0x17: {  	s4 =	simm.s32 $0x1BF5;
	[smem:$0x3FBC] =	sst s0  }
0x18: {  	s0 =	sld [smem:$0x3F9F];
	_ =	swait.ge [sflag:s4], $0x0  }
0x19: {  	s7 =	sld [smem:$0x3FA0]  }
0x1a: {  	s8 =	sadd.s32 $0xFFFFE003, lr  }
0x1b: {  	s9 =	sadd.s32 $0xFFFFFEF7, lr;
	s5 =	simm.s32 $0xFFFFFFFF;
	p2 =	slt.u32 s8, $0xFFFFF086  }
0x1c: {  	p1 =	slt.u32 s9, $0xF7A;
	s5 =	simm.s32 @!p2 $0x0  }
0x1d: {  	s5 =	simm.s32 @p1 $0x1;
	p0 =	seq.s32 s7, s2  }
0x1e: {  	s7 =	smul.u32 @!p0 $0xF7A, s2;
	p2 =	seq.s32 @!p0 s5, $0x0  }
0x1f: {  	s9 =	smul.u32 $0xF7A, s1;
	s8 =	simm.s32 @!p0 $0x1BF5;
	p2 =	por !p2, p0  }
0x20: {  	[sflag:s8] =	ssyncset.s32 @!p0 $0xFFFFF086;
	s6 =	sadd.s32 @!p0 s3, s7;
	s7 =	simm.s32 @!p0 $0x108  }
0x21: {  	s3 =	sadd.s32 s3, s9;
	s6 =	sadd.s32 @!p0 $0x88, s6;
	s7 =	simm.s32 @p2 $0x1082  }
0x22: {  	[simem:s7], [sflag:s8] =	dma.local @!p0 [hbm:s6], $0xF7A  }
0x23: {  	s9 =	sor.u32 $0xD0000000, s2;
	s6 =	simm.s32 $0x108;
	_ =	swait.ge @!p0 [sflag:s8], $0x0  }
0x24: {  	s3 =	sadd.s32 $0x88, s3;
	s6 =	simm.s32 @!p1 $0x1082;
	[sflag:s4] =	ssyncset.s32 $0xFFFFF086  }
0x25: {  	[simem:s6], [sflag:s4] =	dma.local [hbm:s3], $0xF7A  }
0x26: {  	[smem:$0x3FA0] =	sst s1;
	(tag) =	ssettag s2;
	_ =	strace s9  }
0x27: {  	s1 =	sld [smem:$0x3FB0]  }
0x28: {  	s2 =	sld [smem:$0x3FB1]  }
0x29: {  	s4 =	sld [smem:$0x3FB3]  }
0x2a: {  	p0 =	seq.s32 s5, $0x0;
	s5 =	sld [smem:$0x3FB4]  }
0x2b: {  	s6 =	sld [smem:$0x3FB5]  }
0x2c: {  	s7 =	sld [smem:$0x3FB6]  }
0x2d: {  	s3 =	simm.s32 $0x108;
	s8 =	sld [smem:$0x3FB7]  }
0x2e: {  	s3 =	simm.s32 @!p0 $0x1082;
	s9 =	sld [smem:$0x3FB8]  }
0x2f: {  	lr =	sadd.s32 s0, s3;
	s0 =	sld [smem:$0x3FAF]  }
0x30: {  	s3 =	sld [smem:$0x3FB2]  }
0x31: {  	[smem:$0x3FBB] =	sst s10  }
0x32: {  	s10 =	sld [smem:$0x3FB9];
	_ =	sdelay $0x3  }
0x33: {  	p0 =	seq.s32 s10, $0x1;
	s10 =	sld [smem:$0x3FBB];
	_ =	sdelay $0x3  }
0x34: {  	[smem:$0x3FBB] =	sst s10  }
0x35: {  	s10 =	sld [smem:$0x3FBA];
	_ =	sdelay $0x3  }
0x36: {  	p1 =	seq.s32 s10, $0x1;
	s10 =	sld [smem:$0x3FBB];
	_ =	sdelay $0x3  }
0x37: {  	[smem:$0x3FBB] =	sst s10  }
0x38: {  	s10 =	sld [smem:$0x3FBC]  }
0x39: {  	_ = 	snop;
	(pc) =	sbr.ind lr, $3  }
0x3a: {  	_ = 	snop  }
0x3b: {  	_ = 	snop  }
0x3c: {  	p2 =	seq.s32 s10, $0x1;
	s10 =	sld [smem:$0x3FBB]  }
0x3d: {  	_ =	shalt  }
0x3e: {  	_ =	shalt  }
0x3f: {  	_ =	shalt  }
0x40: {  	_ =	shalt  }
0x41: {  	_ =	shalt  }
0x42: {  	_ =	shalt  }
0x43: {  	_ =	shalt  }
0x44: {  	_ =	shalt  }
0x45: {  	_ =	shalt  }
0x46: {  	_ =	shalt  }
0x47: {  	_ =	shalt  }
0x48: {  	_ =	shalt  }
0x49: {  	_ =	shalt  }
0x4a: {  	_ =	shalt  }
0x4b: {  	_ =	shalt  }
0x4c: {  	_ =	shalt  }
0x4d: {  	_ =	shalt  }
0x4e: {  	_ =	shalt  }
0x4f: {  	_ =	shalt  }
0x50: {  	_ =	shalt  }
0x51: {  	_ =	shalt  }
0x52: {  	_ =	shalt  }
0x53: {  	_ =	shalt  }
0x54: {  	_ =	shalt  }
0x55: {  	_ =	shalt  }
0x56: {  	_ =	shalt  }
0x57: {  	_ =	shalt  }
0x58: {  	_ =	shalt  }
0x59: {  	_ =	shalt  }
0x5a: {  	_ =	shalt  }
0x5b: {  	_ =	shalt  }
0x5c: {  	_ =	shalt  }
0x5d: {  	_ =	shalt  }
0x5e: {  	_ =	shalt  }
0x5f: {  	_ =	shalt  }
0x60: {  	_ =	shalt  }
0x61: {  	_ =	shalt  }
0x62: {  	_ =	shalt  }
0x63: {  	_ =	shalt  }
0x64: {  	_ =	shalt  }
0x65: {  	_ =	shalt  }
0x66: {  	_ =	shalt  }
0x67: {  	_ =	shalt  }
0x68: {  	_ =	shalt  }
0x69: {  	_ =	shalt  }
0x6a: {  	_ =	shalt  }
0x6b: {  	_ =	shalt  }
0x6c: {  	_ =	shalt  }
0x6d: {  	_ =	shalt  }
0x6e: {  	_ =	shalt  }
0x6f: {  	_ =	shalt  }
0x70: {  	_ =	shalt  }
0x71: {  	_ =	shalt  }
0x72: {  	_ =	shalt  }
0x73: {  	_ =	shalt  }
0x74: {  	_ =	shalt  }
0x75: {  	_ =	shalt  }
0x76: {  	_ =	shalt  }
0x77: {  	_ =	shalt  }
0x78: {  	_ =	shalt  }
0x79: {  	_ =	shalt  }
0x7a: {  	_ =	shalt  }
0x7b: {  	_ =	shalt  }
0x7c: {  	_ =	shalt  }
0x7d: {  	_ =	shalt  }
0x7e: {  	_ =	shalt  }
0x7f: {  	_ =	shalt  }
0x80: {  	_ =	shalt  }
0x81: {  	_ =	shalt  }
0x82: {  	_ =	shalt  }
0x83: {  	_ =	shalt  }
0x84: {  	_ =	shalt  }
0x85: {  	_ =	shalt  }
0x86: {  	_ =	shalt  }
0x87: {  	_ =	shalt  }
.Lfunc_end0:
.L_simem_size_0:
called_computation_lowered:
.L_overlay_start_0:
0x88: {  	s2 =	sld [smem:$0x3FD9]  }
0x89: {  	s3 =	sld [smem:$0x3FFE];
	_ =	sdelay $0x1  }
0x8a: {  	s1 =	srdreg.scid  }
0x8b: {  	s0 =	sand.u32 $0x1, s1  }
0x8c: {  	s16 =	sshll.u32 s0, $0xA;
	s2 =	sadd.s32 s3, s2  }
0x8d: {  	s2 =	sadd.s32 s2, s16  }
0x8e: {  	[smem:$0x3FC7] =	sst s2  }
0x8f: {  	_ = 	snop  }
0x90: {  	(tm) =	ssettm $0x1  }
0x91: {  	s17 =	sld [smem:$0x3FFB];
	_ =	sdelay $0x3  }
0x92: {  	_ =	strace s17  }
0x93: {  	s2 =	sld [smem:$0x3FFC];
	_ =	sdelay $0x3  }
0x94: {  	_ =	strace s2  }
0x95: {  	s2 =	sld [smem:$0x3FFD];
	_ =	sdelay $0x3  }
0x96: {  	_ =	strace s2  }
0x97: {  	_ =	strace $0x8FFFFFFF  }
0x98: {  	s18 =	sld [smem:$0x3FDB];
	_ =	sdelay $0x1  }
0x99: {  	s19 =	simm.s32 $_scs_section_size  }
0x9a: {  	s4 =	simm.s32 $_size__tile_overlayer_lowered;
	s5 =	simm.s32 $_tile_overlayer_lowered  }
0x9b: {  	s22 =	simm.s32 $0x1BFF;
	s21 =	sshll.u32 s5, $0x1;
	s2 =	sadd.s32 s19, s18  }
0x9c: {  	s6 =	simm.s32 $0x0;
	s20 =	sshll.u32 s4, $0x1;
	s4 =	sadd.s32 s21, s2  }
0x9d: {  	[timem:s6], [sflag:s22] =	dma.local [hbm:s4], s20  }
0x9e: {  	_ =	swait.ge [sflag:s22], s20  }
0x9f: {  	s3 =	ssub.s32 $0x0, s20;
	[sflag:s22] =	ssyncset.done $0x0  }
0xa0: {  	[sflag:s22] =	ssyncadd.s32 s3;
	_ =	sdelay $0x1  }
0xa1: {  	s23 =	simm.s32 $0x1B8B  }
0xa2: {  	_ =	swait.ge [sflag:s23], $0x1  }
0xa3: {  	[sflag:s23] =	ssyncset.done $0x0  }
0xa4: {  	s25 =	simm.s32 $0x1B8E;
	s24 =	sld [smem:$0x3FFE];
	[sflag:s23] =	ssyncadd.s32 $0xFFFFFFFF  }
0xa5: {  	s26 =	simm.s32 $execute0_lowered;
	[smem:$0x3FD2] =	sst s25  }
0xa6: {  	s4 =	sshll.u32 s26, $0x1;
	_ =	strace $0x80000046;
	[dreg:$0x1] =	wrdreg $0xFFFFFFFF  }
0xa7: {  	s28 =	simm.s32 $_size_execute0_lowered;
	s2 =	sadd.s32 s2, s4;
	[dreg:$0x0] =	wrdreg $0x0  }
0xa8: {  	s4 =	sshll.u32 s28, $0x1;
	[dreg:$0x2] =	wrdreg s2  }
0xa9: {  	[dreg:$0x3] =	wrdreg s4  }
0xaa: {  	[dreg:$0x4] =	wrdreg $0xC0  }
0xab: {  	_ =	task [dreg:s6], $0x5FFFF  }
0xac: {  	[dreg:$0x1] =	wrdreg $0xFFFFFFFF  }
0xad: {  	[dreg:$0x0] =	wrdreg $0x60  }
0xae: {  	[dreg:$0x2] =	wrdreg s24  }
0xaf: {  	[dreg:$0x3] =	wrdreg $0x9  }
0xb0: {  	_ =	task.clear_ibuf [dreg:s6], $0x4FFFF;
	_ =	strace $0x90000046  }
0xb1: {  	s29 =	simm.s32 $0x9;
	_ =	strace $0x80000048  }
0xb2: {  	_ =	swait.ge [sflag:s29], $0x1  }
0xb3: {  	[sflag:s29] =	ssyncadd.s32 $0xFFFFFFFF  }
0xb4: {  	_ =	strace $0x90000048  }
0xb5: {  	_ =	sfence  }
0xb6: {  	s30 =	sld [smem:$0x0];
	_ =	sdelay $0x2  }
0xb7: {  	s31 =	sshll.u32 s1, $0xD;
	s1 =	sshrl.u32 s1, $0x2  }
0xb8: {  	s3 =	sand.u32 $0x4000, s31;
	s1 =	sadd.s32 s1, s30  }
0xb9: {  	s0 =	sor.u32 s3, s0;
	s1 =	sshll.u32 s1, $0x11  }
0xba: {  	s0 =	sor.u32 s1, s0  }
0xbb: {  	s0 =	sadd.s32 $0x8F2B, s0  }
0xbc: {  	[sflag:s0] =	ssyncadd.remote.s32 $0x1  }
0xbd: {  	_ =	sfence.sel $0xFFFF  }
0xbe: {  	[dreg:$0x0] =	wrdreg $0xFFFFFFFF;
	(pc) =	sbr.abs _section_cstart, $3  }
0xbf: {  	[dreg:$0x1] =	wrdreg $0xFFFFFFFF  }
0xc0: {  	_ =	task.clear_ibuf [dreg:s6], $0x2FFFF;
	_ =	strace $0x9FFFFFFF  }
0xc1: {  	(tm) =	ssettm $0x7FFFFFFF  }
tec
execute0_lowered:
.L_overlay_start_1:
0x0: {  	(tag) =	ssettag $0x1  }
0x1: {  	s3 =	rddreg [dreg:$0x0]  }
0x2: {  	s0 =	rddreg [dreg:$0x1]  }
0x3: {  	s1 =	stileid.u32;
	s4 =	srdreg.scid  }
0x4: {  	s2 =	simm.s32 $0x0;
	s9 =	simm.s32 $0x400;
	s10 =	simm.s32 $0x0  }
0x5: {  	s4 =	sand.u32 $0x1, s4;
	s5 =	sshll.u32 s1, $0x1;
	[smem:$0x7FF] =	sst s2  }
0x6: {  	s6 =	sshll.u32 s1, $0xB;
	s5 =	sor.u32 s4, s5;
	_ =	strace $0x80000047  }
0x7: {  	s6 =	sand.u32 $0x6000, s6;
	s4 =	ssub.s32 $0x2, s4;
	s7 =	sshll.u32 s5, $0x4  }
0x8: {  	s6 =	sadd.s32 s6, s3;
	s8 =	sshrl.u32 s4, $0x1;
	s5 =	sshll.u32 s5, $0xF  }
0x9: {  	s7 =	sand.u32 $0x70, s7;
	s31 =	ssub.s32 s4, s8;
	s3 =	sadd.s32 s3, s5  }
0xa: {  	s8 =	simm.s32 $0x80;
	s6 =	sadd.s32 s7, s6;
	s5 =	smax.u32 s31, $0x1  }
0xb: {  	v0 =	vimm.s32 $0x0;
	v1 =	vimm.s32 $0x1;
	s7 =	simm.s32 $0x10000;
	s4 =	sadd.s32 $0x100000, s6;
	s6 =	simm.s32 $0x1  }
.LBB2_1:
0xc: {  	s11 =	simm.s32 $0x0  }
.LBB2_2:
0xd: {  	p0 =	sne.s32 s11, $0x7FC0  }
.Ltmp0:
0xe: {  	_ = 	snop;
	(pc) =	sbr.rel @p0 .LBB2_2-.Ltmp0, $3  }
0xf: {  	_ =	sdelay $0x1  }
0x10: {  	s12 =	sshra.s32 s11, $0x2  }
0x11: {  	s11 =	sadd.s32 $0x40, s11;
	[tilespmem:s12+$0x10000] =	vst v0  }
0x12: {  	s11 =	simm.s32 $0x0  }
.LBB2_4:
0x13: {  	s12 =	sshll.u32 s11, $0xD  }
0x14: {  	s12 =	sadd.s32 s12, s3  }
0x15: {  	[tilespmem:s2], [sflag:$0x1] =	stream.linear.gather [hbm4b:s12+s2], $0x10000, $0x38;
	[tilespmem:$0x12000] =	vst v63  }
0x16: {  	_ =	swait.ge [sflag:s6], $0x10000  }
0x17: {  	[sflag:s6] =	ssyncset.done $0x0  }
0x18: {  	s13 =	simm.s32 $0x80;
	s12 =	simm.s32 $0xFFFFFFFE;
	[sflag:s6] =	ssyncadd.s32 $0xFFFF0000  }
.LBB2_5:
0x19: {  	v2 =	vld [tilespmem:s13+$0xFFFFFF80];
	_ =	sdelay $0x7  }
0x1a: {  	[tilespmem:v2+s7+$0x0] =	vst.idx.add.s32.msk $0xffff, v1  }
0x1b: {  	v2 =	vld [tilespmem:s13+$0xFFFFFF90];
	_ =	sdelay $0x7  }
0x1c: {  	[tilespmem:v2+s7+$0x0] =	vst.idx.add.s32.msk $0xffff, v1  }
0x1d: {  	v2 =	vld [tilespmem:s13+$0xFFFFFFA0];
	_ =	sdelay $0x7  }
0x1e: {  	[tilespmem:v2+s7+$0x0] =	vst.idx.add.s32.msk $0xffff, v1  }
0x1f: {  	v2 =	vld [tilespmem:s13+$0xFFFFFFB0];
	_ =	sdelay $0x7  }
0x20: {  	[tilespmem:v2+s7+$0x0] =	vst.idx.add.s32.msk $0xffff, v1  }
0x21: {  	v2 =	vld [tilespmem:s13+$0xFFFFFFC0];
	_ =	sdelay $0x7  }
0x22: {  	[tilespmem:v2+s7+$0x0] =	vst.idx.add.s32.msk $0xffff, v1  }
0x23: {  	v2 =	vld [tilespmem:s13+$0xFFFFFFD0];
	_ =	sdelay $0x7  }
0x24: {  	[tilespmem:v2+s7+$0x0] =	vst.idx.add.s32.msk $0xffff, v1  }
0x25: {  	v2 =	vld [tilespmem:s13+$0xFFFFFFE0];
	_ =	sdelay $0x7  }
0x26: {  	[tilespmem:v2+s7+$0x0] =	vst.idx.add.s32.msk $0xffff, v1  }
0x27: {  	v2 =	vld [tilespmem:s13+$0xFFFFFFF0];
	_ =	sdelay $0x7  }
0x28: {  	[tilespmem:v2+s7+$0x0] =	vst.idx.add.s32.msk $0xffff, v1  }
0x29: {  	v2 =	vld [tilespmem:s13+$0x0];
	_ =	sdelay $0x7  }
0x2a: {  	[tilespmem:v2+s7+$0x0] =	vst.idx.add.s32.msk $0xffff, v1  }
0x2b: {  	v2 =	vld [tilespmem:s13+$0x10];
	_ =	sdelay $0x7  }
0x2c: {  	[tilespmem:v2+s7+$0x0] =	vst.idx.add.s32.msk $0xffff, v1  }
0x2d: {  	v2 =	vld [tilespmem:s13+$0x20];
	_ =	sdelay $0x7  }
0x2e: {  	[tilespmem:v2+s7+$0x0] =	vst.idx.add.s32.msk $0xffff, v1  }
0x2f: {  	v2 =	vld [tilespmem:s13+$0x30];
	_ =	sdelay $0x7  }
0x30: {  	[tilespmem:v2+s7+$0x0] =	vst.idx.add.s32.msk $0xffff, v1  }
0x31: {  	v2 =	vld [tilespmem:s13+$0x40];
	_ =	sdelay $0x7  }
0x32: {  	[tilespmem:v2+s7+$0x0] =	vst.idx.add.s32.msk $0xffff, v1  }
0x33: {  	v2 =	vld [tilespmem:s13+$0x50];
	_ =	sdelay $0x7  }
0x34: {  	[tilespmem:v2+s7+$0x0] =	vst.idx.add.s32.msk $0xffff, v1  }
0x35: {  	v2 =	vld [tilespmem:s13+$0x60];
	_ =	sdelay $0x7  }
0x36: {  	[tilespmem:v2+s7+$0x0] =	vst.idx.add.s32.msk $0xffff, v1  }
0x37: {  	v2 =	vld [tilespmem:s13+$0x70];
	_ =	sdelay $0x1  }
0x38: {  	s12 =	sadd.s32 $0x2, s12  }
0x39: {  	p0 =	slt.u32 s12, $0x1FE  }
.Ltmp1:
0x3a: {  	_ = 	snop;
	(pc) =	sbr.rel @p0 .LBB2_5-.Ltmp1, $2  }
0x3b: {  	_ =	sdelay $0x2  }
0x3c: {  	s13 =	sadd.s32 $0x100, s13;
	[tilespmem:v2+s7+$0x0] =	vst.idx.add.s32.msk $0xffff, v1  }
0x3d: {  	s11 =	sadd.s32 $0x1, s11  }
0x3e: {  	p0 =	sne.s32 s11, $0x4  }
.Ltmp2:
0x3f: {  	_ = 	snop;
	(pc) =	sbr.rel @p0 .LBB2_4-.Ltmp2, $1  }
0x40: {  	_ =	sdelay $0x3  }
0x41: {  	s10 =	sadd.s32 $0x1, s10  }
0x42: {  	p0 =	sne.s32 s10, s5  }
.Ltmp3:
0x43: {  	_ = 	snop;
	(pc) =	sbr.rel @p0 .LBB2_1-.Ltmp3, $4  }
0x44: {  	[hbm4b:s4+s8] =	stream.strided.scatter [tilespmem:s7], [sflag:$0x1], $0x2000, s9, s8, $0x38;
	[tilespmem:$0x12000] =	vst v63  }
0x45: {  	_ =	swait.ge [sflag:s6], $0x2000  }
0x46: {  	[sflag:s6] =	ssyncset.done $0x0  }
0x47: {  	[sflag:s6] =	ssyncadd.s32 $0xFFFFE000  }
0x48: {  	_ =	sfence.sel $0x180000  }
0x49: {  	[bflag:$0x0] =	sbarrier.arrive $0xFFFF  }
0x4a: {  	p0 =	sne.s32 s1, $0x0;
	_ =	strace $0x90000047  }
0x4b: {  	s0 =	sadd.s32 @!p0 $0x100000, s0;
	[bflag:$0x2] =	sbarrier.arrive $0xFFFF  }
0x4c: {  	[sflag:s0] =	ssyncadd.tile.s32 @!p0 $0x1;
	_ =	shalt  }
.Lfunc_end2:
_tile_overlayer_lowered:
.L_overlay_start_2:
0x4d: {  	(tag) =	ssettag $0x2  }
0x4e: {  	s0 =	rddreg [dreg:$0x0];
	s2 =	stileid.u32  }
0x4f: {  	s1 =	rddreg [dreg:$0x1];
	p0 =	sne.s32 s2, $0x0  }
0x50: {  	s3 =	rddreg [dreg:$0x2];
	[bflag:$0x3] =	sbarrier.arrive $0xFFFF;
	s2 =	simm.s32 @!p0 $0x1C01  }
0x51: {  	[timem:s3], [sflag:s2] =	dma.local @!p0 [hbm:s0], s1  }
0x52: {  	s0 =	simm.s32 @!p0 $0x1  }
0x53: {  	_ =	swait.ge @!p0 [sflag:s0], s1  }
0x54: {  	s1 =	ssub.s32 @!p0 $0x0, s1;
	[sflag:s0] =	ssyncset.done @!p0 $0x0  }
0x55: {  	[sflag:s0] =	ssyncadd.s32 @!p0 s1  }
0x56: {  	[bflag:$0x3] =	sbarrier.arrive $0xFFFF  }
0x57: {  	_ =	shalt  }

</sc_bundles>
